<compile_context>
chip_gen: v7x
topology: tpu7x:2x2x1
jax: 0.10.2.dev20260603
libtpu: 0.0.44.dev20260713+nightly
codegen_flags: <defaults>
</compile_context>

<pallas_src>
import functools

import jax
import jax.numpy as jnp
from jax import lax
from jax.experimental import pallas as pl
from jax.experimental.pallas import tpu as pltpu
from jax.experimental.pallas import tpu_sc as plsc

NUM_TOKENS = 8192
DIM = 768

_info = plsc.get_sparse_core_info()
_NC = _info.num_cores
_NS = _info.num_subcores
_NW = _NC * _NS
_ROWS_PER_W = NUM_TOKENS // _NW
_RA = 128
_RB = 32
_RC = _ROWS_PER_W - _RA - _RB


@functools.partial(
    pl.kernel,
    out_type=jax.ShapeDtypeStruct((NUM_TOKENS, 1, DIM), jnp.float32),
    mesh=plsc.VectorSubcoreMesh(core_axis_name="c", subcore_axis_name="s"),
    scratch_types=(
        [pltpu.VMEM((_RA, DIM), jnp.float32),
         pltpu.VMEM_SHARED((_NS, _RB, DIM), jnp.float32)]
        + [pltpu.SemaphoreType.DMA] * 6
    ),
)
def _identity_rows_sc(table_hbm, out_hbm, buf_a, buf_b,
                      sa_in, sb_in, sc_in, sa_out, sb_out, sc_out):
    sid = lax.axis_index("s")
    wid = sid * _NC + lax.axis_index("c")
    base = wid * _ROWS_PER_W
    base_b = base + _RA
    base_c = base_b + _RB

    in_a = pltpu.async_copy(table_hbm.at[pl.ds(base, _RA)], buf_a, sa_in)
    in_b = pltpu.async_copy(
        table_hbm.at[pl.ds(base_b, _RB)], buf_b.at[sid], sb_in)
    in_a.wait()
    out_a = pltpu.async_copy(
        buf_a, out_hbm.at[pl.ds(base, _RA), 0], sa_out)
    in_b.wait()
    out_b = pltpu.async_copy(
        buf_b.at[sid], out_hbm.at[pl.ds(base_b, _RB), 0], sb_out)
    out_a.wait()
    in_c = pltpu.async_copy(
        table_hbm.at[pl.ds(base_c, _RC)], buf_a.at[pl.ds(0, _RC)], sc_in)
    in_c.wait()
    out_c = pltpu.async_copy(
        buf_a.at[pl.ds(0, _RC)], out_hbm.at[pl.ds(base_c, _RC), 0], sc_out)
    out_b.wait()
    out_c.wait()


def kernel(table):
    return _identity_rows_sc(table)

# --- scband reference (transcript-rebuilt; emitter-appended) ---
"""Pipeline reference for scband-learned1-dposition-embedding-72791105732777 (READ-ONLY COPY).

The authoritative reference and input builder live on the scoring server;
editing this copy changes nothing except your own understanding.
"""

import jax, jax.numpy as jnp
import numpy as np

NUM_TOKENS = 8192
DIM = 768

def setup_inputs(seed: int = 0) -> dict:
    key = jax.random.key(seed)
    # Learned parameter: positional embedding table, init std=0.02 as in the module
    table = jax.random.normal(key, (NUM_TOKENS, DIM), dtype=jnp.float32) * 0.02
    return {"table": table}

def reference(table) -> jnp.ndarray:
    # forward(): pos_ids = arange(num_tokens); return embed(pos_ids).unsqueeze(1)
    pos_ids = jnp.arange(table.shape[0], dtype=jnp.int64 if jax.config.jax_enable_x64 else jnp.int32)
    out = jnp.take(table, pos_ids, axis=0)  # [N, D] gather (identity permutation)
    return out[:, None, :]  # [N, 1, D]

if __name__ == "__main__":
    import jax
    _d = setup_inputs()
    print(jax.jit(kernel)(*tuple(_d.values())))

</pallas_src>

<mosaic_0001>
#map = affine_map<(d0, d1) -> (0, 0)>
#map1 = affine_map<(d0, d1) -> (0, 0, 0)>
module attributes {stable_mosaic.version = 14 : i64} {
  func.func @_identity_rows_sc(%arg0: i32, %arg1: i32, %arg2: memref<8192x768xf32, #tpu.memory_space<hbm>>, %arg3: memref<8192x1x768xf32, #tpu.memory_space<hbm>>, %arg4: memref<128x768xf32, #tpu.memory_space<vmem>>, %arg5: memref<16x32x768xf32, #tpu.memory_space<vmem_shared>>, %arg6: memref<!tpu.dma_semaphore, #tpu.memory_space<semaphore_mem>>, %arg7: memref<!tpu.dma_semaphore, #tpu.memory_space<semaphore_mem>>, %arg8: memref<!tpu.dma_semaphore, #tpu.memory_space<semaphore_mem>>, %arg9: memref<!tpu.dma_semaphore, #tpu.memory_space<semaphore_mem>>, %arg10: memref<!tpu.dma_semaphore, #tpu.memory_space<semaphore_mem>>, %arg11: memref<!tpu.dma_semaphore, #tpu.memory_space<semaphore_mem>>) attributes {dimension_semantics = [#tpu.dimension_semantics<core_parallel>, #tpu.dimension_semantics<subcore_parallel>], iteration_bounds = array<i64: 2, 16>, scalar_prefetch = 0 : i64, scratch_operands = 8 : i64, tpu.core_type = #tpu.core_type<sc_vector_subcore>, window_params = [{transform_indices = #map}, {transform_indices = #map1}]} {
    %mul3A = arith.constant 2 : i32
    %mul3A_0 = arith.muli %arg1, %mul3A : i32
    %add3A = arith.addi %mul3A_0, %arg0 : i32
    %mul3A_1 = arith.constant 256 : i32
    %mul3A_2 = arith.muli %add3A, %mul3A_1 : i32
    %add3A_3 = arith.constant 128 : i32
    %add3A_4 = arith.addi %mul3A_2, %add3A_3 : i32
    %add3A_5 = arith.constant 32 : i32
    %add3A_6 = arith.addi %add3A_4, %add3A_5 : i32
    %dma_start3A = arith.constant 0 : i32
    %dma_start3A_7 = tpu.memref_slice %arg2[%mul3A_2, %dma_start3A] : memref<8192x768xf32, #tpu.memory_space<hbm>> -> memref<128x768xf32, #tpu.memory_space<hbm>>
    %dma_start3A_8 = arith.constant 0 : i32
    %dma_start3A_9 = tpu.memref_slice %arg2[%mul3A_2, %dma_start3A_8] : memref<8192x768xf32, #tpu.memory_space<hbm>> -> memref<128x768xf32, #tpu.memory_space<hbm>>
    tpu.enqueue_dma source(%dma_start3A_9 : memref<128x768xf32, #tpu.memory_space<hbm>>) target(%arg4 : memref<128x768xf32, #tpu.memory_space<vmem>>) target_semaphore(%arg6 : memref<!tpu.dma_semaphore, #tpu.memory_space<semaphore_mem>>)
    %dma_start3A_10 = arith.constant 0 : i32
    %dma_start3A_11 = arith.constant 0 : i32
    %dma_start3A_12 = tpu.memref_slice %arg5[%arg1, %dma_start3A_10, %dma_start3A_11] : memref<16x32x768xf32, #tpu.memory_space<vmem_shared>> -> memref<1x32x768xf32, #tpu.memory_space<vmem_shared>>
    %dma_start3A_13 = tpu.memref_squeeze %dma_start3A_12 : memref<1x32x768xf32, #tpu.memory_space<vmem_shared>> -> memref<32x768xf32, #tpu.memory_space<vmem_shared>>
    %dma_start3A_14 = arith.constant 0 : i32
    %dma_start3A_15 = tpu.memref_slice %arg2[%add3A_4, %dma_start3A_14] : memref<8192x768xf32, #tpu.memory_space<hbm>> -> memref<32x768xf32, #tpu.memory_space<hbm>>
    tpu.enqueue_dma source(%dma_start3A_15 : memref<32x768xf32, #tpu.memory_space<hbm>>) target(%dma_start3A_13 : memref<32x768xf32, #tpu.memory_space<vmem_shared>>) target_semaphore(%arg7 : memref<!tpu.dma_semaphore, #tpu.memory_space<semaphore_mem>>)
    %dma_wait3A = arith.constant 0 : i32
    %dma_wait3A_16 = tpu.memref_slice %arg2[%mul3A_2, %dma_wait3A] : memref<8192x768xf32, #tpu.memory_space<hbm>> -> memref<128x768xf32, #tpu.memory_space<hbm>>
    %dma_wait3A_17 = arith.constant 0 : i32
    %dma_wait3A_18 = tpu.memref_slice %arg2[%mul3A_2, %dma_wait3A_17] : memref<8192x768xf32, #tpu.memory_space<hbm>> -> memref<128x768xf32, #tpu.memory_space<hbm>>
    tpu.wait_dma2 semaphore(%arg6 : memref<!tpu.dma_semaphore, #tpu.memory_space<semaphore_mem>>) src(%dma_wait3A_18 : memref<128x768xf32, #tpu.memory_space<hbm>>) dst(%arg4 : memref<128x768xf32, #tpu.memory_space<vmem>>)
    %dma_start3A_19 = arith.constant 0 : i32
    %dma_start3A_20 = arith.constant 0 : i32
    %dma_start3A_21 = tpu.memref_slice %arg3[%mul3A_2, %dma_start3A_19, %dma_start3A_20] : memref<8192x1x768xf32, #tpu.memory_space<hbm>> -> memref<128x1x768xf32, #tpu.memory_space<hbm>>
    %dma_start3A_22 = tpu.memref_squeeze %dma_start3A_21 : memref<128x1x768xf32, #tpu.memory_space<hbm>> -> memref<128x768xf32, #tpu.memory_space<hbm>>
    %dma_start3A_23 = arith.constant 0 : i32
    %dma_start3A_24 = tpu.memref_slice %arg3[%mul3A_2, %dma_start3A_19, %dma_start3A_23] : memref<8192x1x768xf32, #tpu.memory_space<hbm>> -> memref<128x1x768xf32, #tpu.memory_space<hbm>>
    %dma_start3A_25 = tpu.memref_squeeze %dma_start3A_24 : memref<128x1x768xf32, #tpu.memory_space<hbm>> -> memref<128x768xf32, #tpu.memory_space<hbm>>
    tpu.enqueue_dma source(%arg4 : memref<128x768xf32, #tpu.memory_space<vmem>>) target(%dma_start3A_25 : memref<128x768xf32, #tpu.memory_space<hbm>>) target_semaphore(%arg9 : memref<!tpu.dma_semaphore, #tpu.memory_space<semaphore_mem>>)
    %dma_wait3A_26 = arith.constant 0 : i32
    %dma_wait3A_27 = arith.constant 0 : i32
    %dma_wait3A_28 = tpu.memref_slice %arg5[%arg1, %dma_wait3A_26, %dma_wait3A_27] : memref<16x32x768xf32, #tpu.memory_space<vmem_shared>> -> memref<1x32x768xf32, #tpu.memory_space<vmem_shared>>
    %dma_wait3A_29 = tpu.memref_squeeze %dma_wait3A_28 : memref<1x32x768xf32, #tpu.memory_space<vmem_shared>> -> memref<32x768xf32, #tpu.memory_space<vmem_shared>>
    %dma_wait3A_30 = arith.constant 0 : i32
    %dma_wait3A_31 = tpu.memref_slice %arg2[%add3A_4, %dma_wait3A_30] : memref<8192x768xf32, #tpu.memory_space<hbm>> -> memref<32x768xf32, #tpu.memory_space<hbm>>
    tpu.wait_dma2 semaphore(%arg7 : memref<!tpu.dma_semaphore, #tpu.memory_space<semaphore_mem>>) src(%dma_wait3A_31 : memref<32x768xf32, #tpu.memory_space<hbm>>) dst(%dma_wait3A_29 : memref<32x768xf32, #tpu.memory_space<vmem_shared>>)
    %dma_start3A_32 = arith.constant 0 : i32
    %dma_start3A_33 = arith.constant 0 : i32
    %dma_start3A_34 = tpu.memref_slice %arg3[%add3A_4, %dma_start3A_32, %dma_start3A_33] : memref<8192x1x768xf32, #tpu.memory_space<hbm>> -> memref<32x1x768xf32, #tpu.memory_space<hbm>>
    %dma_start3A_35 = tpu.memref_squeeze %dma_start3A_34 : memref<32x1x768xf32, #tpu.memory_space<hbm>> -> memref<32x768xf32, #tpu.memory_space<hbm>>
    %dma_start3A_36 = arith.constant 0 : i32
    %dma_start3A_37 = arith.constant 0 : i32
    %dma_start3A_38 = tpu.memref_slice %arg5[%arg1, %dma_start3A_36, %dma_start3A_37] : memref<16x32x768xf32, #tpu.memory_space<vmem_shared>> -> memref<1x32x768xf32, #tpu.memory_space<vmem_shared>>
    %dma_start3A_39 = tpu.memref_squeeze %dma_start3A_38 : memref<1x32x768xf32, #tpu.memory_space<vmem_shared>> -> memref<32x768xf32, #tpu.memory_space<vmem_shared>>
    tpu.enqueue_dma source(%dma_start3A_39 : memref<32x768xf32, #tpu.memory_space<vmem_shared>>) target(%dma_start3A_35 : memref<32x768xf32, #tpu.memory_space<hbm>>) target_semaphore(%arg10 : memref<!tpu.dma_semaphore, #tpu.memory_space<semaphore_mem>>)
    %dma_wait3A_40 = arith.constant 0 : i32
    %dma_wait3A_41 = arith.constant 0 : i32
    %dma_wait3A_42 = tpu.memref_slice %arg3[%mul3A_2, %dma_wait3A_40, %dma_wait3A_41] : memref<8192x1x768xf32, #tpu.memory_space<hbm>> -> memref<128x1x768xf32, #tpu.memory_space<hbm>>
    %dma_wait3A_43 = tpu.memref_squeeze %dma_wait3A_42 : memref<128x1x768xf32, #tpu.memory_space<hbm>> -> memref<128x768xf32, #tpu.memory_space<hbm>>
    %dma_wait3A_44 = arith.constant 0 : i32
    %dma_wait3A_45 = tpu.memref_slice %arg3[%mul3A_2, %dma_wait3A_40, %dma_wait3A_44] : memref<8192x1x768xf32, #tpu.memory_space<hbm>> -> memref<128x1x768xf32, #tpu.memory_space<hbm>>
    %dma_wait3A_46 = tpu.memref_squeeze %dma_wait3A_45 : memref<128x1x768xf32, #tpu.memory_space<hbm>> -> memref<128x768xf32, #tpu.memory_space<hbm>>
    tpu.wait_dma2 semaphore(%arg9 : memref<!tpu.dma_semaphore, #tpu.memory_space<semaphore_mem>>) src(%arg4 : memref<128x768xf32, #tpu.memory_space<vmem>>) dst(%dma_wait3A_46 : memref<128x768xf32, #tpu.memory_space<hbm>>)
    %dma_start3A_47 = arith.constant 0 : i32
    %dma_start3A_48 = arith.constant 0 : i32
    %dma_start3A_49 = tpu.memref_slice %arg4[%dma_start3A_47, %dma_start3A_48] : memref<128x768xf32, #tpu.memory_space<vmem>> -> memref<96x768xf32, #tpu.memory_space<vmem>>
    %dma_start3A_50 = arith.constant 0 : i32
    %dma_start3A_51 = tpu.memref_slice %arg2[%add3A_6, %dma_start3A_50] : memref<8192x768xf32, #tpu.memory_space<hbm>> -> memref<96x768xf32, #tpu.memory_space<hbm>>
    %dma_start3A_52 = arith.constant 0 : i32
    %dma_start3A_53 = arith.constant 0 : i32
    %dma_start3A_54 = tpu.memref_slice %arg4[%dma_start3A_52, %dma_start3A_53] : memref<128x768xf32, #tpu.memory_space<vmem>> -> memref<96x768xf32, #tpu.memory_space<vmem>>
    %dma_start3A_55 = arith.constant 0 : i32
    %dma_start3A_56 = tpu.memref_slice %arg2[%add3A_6, %dma_start3A_55] : memref<8192x768xf32, #tpu.memory_space<hbm>> -> memref<96x768xf32, #tpu.memory_space<hbm>>
    tpu.enqueue_dma source(%dma_start3A_56 : memref<96x768xf32, #tpu.memory_space<hbm>>) target(%dma_start3A_54 : memref<96x768xf32, #tpu.memory_space<vmem>>) target_semaphore(%arg8 : memref<!tpu.dma_semaphore, #tpu.memory_space<semaphore_mem>>)
    %dma_wait3A_57 = arith.constant 0 : i32
    %dma_wait3A_58 = arith.constant 0 : i32
    %dma_wait3A_59 = tpu.memref_slice %arg4[%dma_wait3A_57, %dma_wait3A_58] : memref<128x768xf32, #tpu.memory_space<vmem>> -> memref<96x768xf32, #tpu.memory_space<vmem>>
    %dma_wait3A_60 = arith.constant 0 : i32
    %dma_wait3A_61 = tpu.memref_slice %arg2[%add3A_6, %dma_wait3A_60] : memref<8192x768xf32, #tpu.memory_space<hbm>> -> memref<96x768xf32, #tpu.memory_space<hbm>>
    %dma_wait3A_62 = arith.constant 0 : i32
    %dma_wait3A_63 = arith.constant 0 : i32
    %dma_wait3A_64 = tpu.memref_slice %arg4[%dma_wait3A_62, %dma_wait3A_63] : memref<128x768xf32, #tpu.memory_space<vmem>> -> memref<96x768xf32, #tpu.memory_space<vmem>>
    %dma_wait3A_65 = arith.constant 0 : i32
    %dma_wait3A_66 = tpu.memref_slice %arg2[%add3A_6, %dma_wait3A_65] : memref<8192x768xf32, #tpu.memory_space<hbm>> -> memref<96x768xf32, #tpu.memory_space<hbm>>
    tpu.wait_dma2 semaphore(%arg8 : memref<!tpu.dma_semaphore, #tpu.memory_space<semaphore_mem>>) src(%dma_wait3A_66 : memref<96x768xf32, #tpu.memory_space<hbm>>) dst(%dma_wait3A_64 : memref<96x768xf32, #tpu.memory_space<vmem>>)
    %dma_start3A_67 = arith.constant 0 : i32
    %dma_start3A_68 = arith.constant 0 : i32
    %dma_start3A_69 = arith.constant 0 : i32
    %dma_start3A_70 = tpu.memref_slice %arg4[%dma_start3A_68, %dma_start3A_69] : memref<128x768xf32, #tpu.memory_space<vmem>> -> memref<96x768xf32, #tpu.memory_space<vmem>>
    %dma_start3A_71 = arith.constant 0 : i32
    %dma_start3A_72 = tpu.memref_slice %arg3[%add3A_6, %dma_start3A_67, %dma_start3A_71] : memref<8192x1x768xf32, #tpu.memory_space<hbm>> -> memref<96x1x768xf32, #tpu.memory_space<hbm>>
    %dma_start3A_73 = tpu.memref_squeeze %dma_start3A_72 : memref<96x1x768xf32, #tpu.memory_space<hbm>> -> memref<96x768xf32, #tpu.memory_space<hbm>>
    %dma_start3A_74 = arith.constant 0 : i32
    %dma_start3A_75 = tpu.memref_slice %arg3[%add3A_6, %dma_start3A_67, %dma_start3A_74] : memref<8192x1x768xf32, #tpu.memory_space<hbm>> -> memref<96x1x768xf32, #tpu.memory_space<hbm>>
    %dma_start3A_76 = tpu.memref_squeeze %dma_start3A_75 : memref<96x1x768xf32, #tpu.memory_space<hbm>> -> memref<96x768xf32, #tpu.memory_space<hbm>>
    %dma_start3A_77 = arith.constant 0 : i32
    %dma_start3A_78 = arith.constant 0 : i32
    %dma_start3A_79 = tpu.memref_slice %arg4[%dma_start3A_77, %dma_start3A_78] : memref<128x768xf32, #tpu.memory_space<vmem>> -> memref<96x768xf32, #tpu.memory_space<vmem>>
    tpu.enqueue_dma source(%dma_start3A_79 : memref<96x768xf32, #tpu.memory_space<vmem>>) target(%dma_start3A_76 : memref<96x768xf32, #tpu.memory_space<hbm>>) target_semaphore(%arg11 : memref<!tpu.dma_semaphore, #tpu.memory_space<semaphore_mem>>)
    %dma_wait3A_80 = arith.constant 0 : i32
    %dma_wait3A_81 = arith.constant 0 : i32
    %dma_wait3A_82 = tpu.memref_slice %arg3[%add3A_4, %dma_wait3A_80, %dma_wait3A_81] : memref<8192x1x768xf32, #tpu.memory_space<hbm>> -> memref<32x1x768xf32, #tpu.memory_space<hbm>>
    %dma_wait3A_83 = tpu.memref_squeeze %dma_wait3A_82 : memref<32x1x768xf32, #tpu.memory_space<hbm>> -> memref<32x768xf32, #tpu.memory_space<hbm>>
    %dma_wait3A_84 = arith.constant 0 : i32
    %dma_wait3A_85 = arith.constant 0 : i32
    %dma_wait3A_86 = tpu.memref_slice %arg5[%arg1, %dma_wait3A_84, %dma_wait3A_85] : memref<16x32x768xf32, #tpu.memory_space<vmem_shared>> -> memref<1x32x768xf32, #tpu.memory_space<vmem_shared>>
    %dma_wait3A_87 = tpu.memref_squeeze %dma_wait3A_86 : memref<1x32x768xf32, #tpu.memory_space<vmem_shared>> -> memref<32x768xf32, #tpu.memory_space<vmem_shared>>
    tpu.wait_dma2 semaphore(%arg10 : memref<!tpu.dma_semaphore, #tpu.memory_space<semaphore_mem>>) src(%dma_wait3A_87 : memref<32x768xf32, #tpu.memory_space<vmem_shared>>) dst(%dma_wait3A_83 : memref<32x768xf32, #tpu.memory_space<hbm>>)
    %dma_wait3A_88 = arith.constant 0 : i32
    %dma_wait3A_89 = arith.constant 0 : i32
    %dma_wait3A_90 = arith.constant 0 : i32
    %dma_wait3A_91 = tpu.memref_slice %arg4[%dma_wait3A_89, %dma_wait3A_90] : memref<128x768xf32, #tpu.memory_space<vmem>> -> memref<96x768xf32, #tpu.memory_space<vmem>>
    %dma_wait3A_92 = arith.constant 0 : i32
    %dma_wait3A_93 = tpu.memref_slice %arg3[%add3A_6, %dma_wait3A_88, %dma_wait3A_92] : memref<8192x1x768xf32, #tpu.memory_space<hbm>> -> memref<96x1x768xf32, #tpu.memory_space<hbm>>
    %dma_wait3A_94 = tpu.memref_squeeze %dma_wait3A_93 : memref<96x1x768xf32, #tpu.memory_space<hbm>> -> memref<96x768xf32, #tpu.memory_space<hbm>>
    %dma_wait3A_95 = arith.constant 0 : i32
    %dma_wait3A_96 = tpu.memref_slice %arg3[%add3A_6, %dma_wait3A_88, %dma_wait3A_95] : memref<8192x1x768xf32, #tpu.memory_space<hbm>> -> memref<96x1x768xf32, #tpu.memory_space<hbm>>
    %dma_wait3A_97 = tpu.memref_squeeze %dma_wait3A_96 : memref<96x1x768xf32, #tpu.memory_space<hbm>> -> memref<96x768xf32, #tpu.memory_space<hbm>>
    %dma_wait3A_98 = arith.constant 0 : i32
    %dma_wait3A_99 = arith.constant 0 : i32
    %dma_wait3A_100 = tpu.memref_slice %arg4[%dma_wait3A_98, %dma_wait3A_99] : memref<128x768xf32, #tpu.memory_space<vmem>> -> memref<96x768xf32, #tpu.memory_space<vmem>>
    tpu.wait_dma2 semaphore(%arg11 : memref<!tpu.dma_semaphore, #tpu.memory_space<semaphore_mem>>) src(%dma_wait3A_100 : memref<96x768xf32, #tpu.memory_space<vmem>>) dst(%dma_wait3A_97 : memref<96x768xf32, #tpu.memory_space<hbm>>)
    return
  }
}

</mosaic_0001>

<sc_bundles>
// kernel: kernel.3.cloned.1.call-start
scs
__scs_entry_jumppad:
0x0: {  	(pc) =	sbr.rel $0x88, $3  }
0x1: {  	(tag) =	ssettag $0x0;
	lr =	simm.s32 $0x1  }
0x2: {  	[smem:$0x3FA0] =	sst lr;
	_ =	strace $0xD0000000  }
0x3: {  	_ = 	snop  }
0x4: {  	_ = 	snop  }
0x5: {  	_ = 	snop  }
0x6: {  	_ = 	snop  }
0x7: {  	_ = 	snop  }
__scs_overlays_trampoline_lowered:
0x8: {  	[smem:$0x3FAF] =	sst s0  }
0x9: {  	[smem:$0x3FB0] =	sst s1  }
0xa: {  	[smem:$0x3FB1] =	sst s2  }
0xb: {  	[smem:$0x3FB2] =	sst s3  }
0xc: {  	[smem:$0x3FB3] =	sst s4  }
0xd: {  	[smem:$0x3FB4] =	sst s5  }
0xe: {  	[smem:$0x3FB5] =	sst s6  }
0xf: {  	[smem:$0x3FB6] =	sst s7  }
0x10: {  	[smem:$0x3FB7] =	sst s8  }
0x11: {  	[smem:$0x3FB8] =	sst s9;
	s0 =	simm.s32 @!p0 $0x0  }
0x12: {  	s1 =	sld [smem:$0x3F9E];
	s0 =	simm.s32 @p0 $0x1  }
0x13: {  	[smem:$0x3FB9] =	sst s0;
	s0 =	simm.s32 @!p1 $0x0  }
0x14: {  	s2 =	sld [smem:$0x3F9D];
	s0 =	simm.s32 @p1 $0x1  }
0x15: {  	[smem:$0x3FBA] =	sst s0;
	s0 =	simm.s32 @!p2 $0x0  }
0x16: {  	s3 =	sld [smem:$0x3FDB];
	s0 =	simm.s32 @p2 $0x1  }
0x17: {  	s4 =	simm.s32 $0x1BF5;
	[smem:$0x3FBC] =	sst s0  }
0x18: {  	s0 =	sld [smem:$0x3F9F];
	_ =	swait.ge [sflag:s4], $0x0  }
0x19: {  	s7 =	sld [smem:$0x3FA0]  }
0x1a: {  	s8 =	sadd.s32 $0xFFFFE003, lr  }
0x1b: {  	s9 =	sadd.s32 $0xFFFFFEF7, lr;
	s5 =	simm.s32 $0xFFFFFFFF;
	p2 =	slt.u32 s8, $0xFFFFF086  }
0x1c: {  	p1 =	slt.u32 s9, $0xF7A;
	s5 =	simm.s32 @!p2 $0x0  }
0x1d: {  	s5 =	simm.s32 @p1 $0x1;
	p0 =	seq.s32 s7, s2  }
0x1e: {  	s7 =	smul.u32 @!p0 $0xF7A, s2;
	p2 =	seq.s32 @!p0 s5, $0x0  }
0x1f: {  	s9 =	smul.u32 $0xF7A, s1;
	s8 =	simm.s32 @!p0 $0x1BF5;
	p2 =	por !p2, p0  }
0x20: {  	[sflag:s8] =	ssyncset.s32 @!p0 $0xFFFFF086;
	s6 =	sadd.s32 @!p0 s3, s7;
	s7 =	simm.s32 @!p0 $0x108  }
0x21: {  	s3 =	sadd.s32 s3, s9;
	s6 =	sadd.s32 @!p0 $0x88, s6;
	s7 =	simm.s32 @p2 $0x1082  }
0x22: {  	[simem:s7], [sflag:s8] =	dma.local @!p0 [hbm:s6], $0xF7A  }
0x23: {  	s9 =	sor.u32 $0xD0000000, s2;
	s6 =	simm.s32 $0x108;
	_ =	swait.ge @!p0 [sflag:s8], $0x0  }
0x24: {  	s3 =	sadd.s32 $0x88, s3;
	s6 =	simm.s32 @!p1 $0x1082;
	[sflag:s4] =	ssyncset.s32 $0xFFFFF086  }
0x25: {  	[simem:s6], [sflag:s4] =	dma.local [hbm:s3], $0xF7A  }
0x26: {  	[smem:$0x3FA0] =	sst s1;
	(tag) =	ssettag s2;
	_ =	strace s9  }
0x27: {  	s1 =	sld [smem:$0x3FB0]  }
0x28: {  	s2 =	sld [smem:$0x3FB1]  }
0x29: {  	s4 =	sld [smem:$0x3FB3]  }
0x2a: {  	p0 =	seq.s32 s5, $0x0;
	s5 =	sld [smem:$0x3FB4]  }
0x2b: {  	s6 =	sld [smem:$0x3FB5]  }
0x2c: {  	s7 =	sld [smem:$0x3FB6]  }
0x2d: {  	s3 =	simm.s32 $0x108;
	s8 =	sld [smem:$0x3FB7]  }
0x2e: {  	s3 =	simm.s32 @!p0 $0x1082;
	s9 =	sld [smem:$0x3FB8]  }
0x2f: {  	lr =	sadd.s32 s0, s3;
	s0 =	sld [smem:$0x3FAF]  }
0x30: {  	s3 =	sld [smem:$0x3FB2]  }
0x31: {  	[smem:$0x3FBB] =	sst s10  }
0x32: {  	s10 =	sld [smem:$0x3FB9];
	_ =	sdelay $0x3  }
0x33: {  	p0 =	seq.s32 s10, $0x1;
	s10 =	sld [smem:$0x3FBB];
	_ =	sdelay $0x3  }
0x34: {  	[smem:$0x3FBB] =	sst s10  }
0x35: {  	s10 =	sld [smem:$0x3FBA];
	_ =	sdelay $0x3  }
0x36: {  	p1 =	seq.s32 s10, $0x1;
	s10 =	sld [smem:$0x3FBB];
	_ =	sdelay $0x3  }
0x37: {  	[smem:$0x3FBB] =	sst s10  }
0x38: {  	s10 =	sld [smem:$0x3FBC]  }
0x39: {  	_ = 	snop;
	(pc) =	sbr.ind lr, $3  }
0x3a: {  	_ = 	snop  }
0x3b: {  	_ = 	snop  }
0x3c: {  	p2 =	seq.s32 s10, $0x1;
	s10 =	sld [smem:$0x3FBB]  }
0x3d: {  	_ =	shalt  }
0x3e: {  	_ =	shalt  }
0x3f: {  	_ =	shalt  }
0x40: {  	_ =	shalt  }
0x41: {  	_ =	shalt  }
0x42: {  	_ =	shalt  }
0x43: {  	_ =	shalt  }
0x44: {  	_ =	shalt  }
0x45: {  	_ =	shalt  }
0x46: {  	_ =	shalt  }
0x47: {  	_ =	shalt  }
0x48: {  	_ =	shalt  }
0x49: {  	_ =	shalt  }
0x4a: {  	_ =	shalt  }
0x4b: {  	_ =	shalt  }
0x4c: {  	_ =	shalt  }
0x4d: {  	_ =	shalt  }
0x4e: {  	_ =	shalt  }
0x4f: {  	_ =	shalt  }
0x50: {  	_ =	shalt  }
0x51: {  	_ =	shalt  }
0x52: {  	_ =	shalt  }
0x53: {  	_ =	shalt  }
0x54: {  	_ =	shalt  }
0x55: {  	_ =	shalt  }
0x56: {  	_ =	shalt  }
0x57: {  	_ =	shalt  }
0x58: {  	_ =	shalt  }
0x59: {  	_ =	shalt  }
0x5a: {  	_ =	shalt  }
0x5b: {  	_ =	shalt  }
0x5c: {  	_ =	shalt  }
0x5d: {  	_ =	shalt  }
0x5e: {  	_ =	shalt  }
0x5f: {  	_ =	shalt  }
0x60: {  	_ =	shalt  }
0x61: {  	_ =	shalt  }
0x62: {  	_ =	shalt  }
0x63: {  	_ =	shalt  }
0x64: {  	_ =	shalt  }
0x65: {  	_ =	shalt  }
0x66: {  	_ =	shalt  }
0x67: {  	_ =	shalt  }
0x68: {  	_ =	shalt  }
0x69: {  	_ =	shalt  }
0x6a: {  	_ =	shalt  }
0x6b: {  	_ =	shalt  }
0x6c: {  	_ =	shalt  }
0x6d: {  	_ =	shalt  }
0x6e: {  	_ =	shalt  }
0x6f: {  	_ =	shalt  }
0x70: {  	_ =	shalt  }
0x71: {  	_ =	shalt  }
0x72: {  	_ =	shalt  }
0x73: {  	_ =	shalt  }
0x74: {  	_ =	shalt  }
0x75: {  	_ =	shalt  }
0x76: {  	_ =	shalt  }
0x77: {  	_ =	shalt  }
0x78: {  	_ =	shalt  }
0x79: {  	_ =	shalt  }
0x7a: {  	_ =	shalt  }
0x7b: {  	_ =	shalt  }
0x7c: {  	_ =	shalt  }
0x7d: {  	_ =	shalt  }
0x7e: {  	_ =	shalt  }
0x7f: {  	_ =	shalt  }
0x80: {  	_ =	shalt  }
0x81: {  	_ =	shalt  }
0x82: {  	_ =	shalt  }
0x83: {  	_ =	shalt  }
0x84: {  	_ =	shalt  }
0x85: {  	_ =	shalt  }
0x86: {  	_ =	shalt  }
0x87: {  	_ =	shalt  }
.Lfunc_end0:
.L_simem_size_0:
called_computation_lowered:
.L_overlay_start_0:
0x88: {  	s2 =	sld [smem:$0x3FD9]  }
0x89: {  	s3 =	sld [smem:$0x3FFE];
	_ =	sdelay $0x1  }
0x8a: {  	s1 =	srdreg.scid  }
0x8b: {  	s0 =	sand.u32 $0x1, s1  }
0x8c: {  	s18 =	sshll.u32 s0, $0xA;
	s2 =	sadd.s32 s3, s2  }
0x8d: {  	s2 =	sadd.s32 s2, s18  }
0x8e: {  	[smem:$0x3FC7] =	sst s2  }
0x8f: {  	_ = 	snop  }
0x90: {  	s2 =	sld [smem:$0x3FC9]  }
0x91: {  	s19 =	sld [smem:$0x3FD0];
	(tm) =	ssettm $0x1  }
0x92: {  	s4 =	sld [smem:$0x3FFB];
	_ =	sdelay $0x3  }
0x93: {  	_ =	strace s4  }
0x94: {  	s4 =	sld [smem:$0x3FFC];
	_ =	sdelay $0x3  }
0x95: {  	_ =	strace s4  }
0x96: {  	s4 =	sld [smem:$0x3FFD];
	_ =	sdelay $0x3  }
0x97: {  	_ =	strace s4  }
0x98: {  	_ =	strace $0x8FFFFFFF  }
0x99: {  	s20 =	sld [smem:$0x3FDB];
	_ =	sdelay $0x1  }
0x9a: {  	s5 =	simm.s32 $_scs_section_size  }
0x9b: {  	s6 =	simm.s32 $_size__tile_overlayer_lowered;
	s7 =	simm.s32 $_tile_overlayer_lowered  }
0x9c: {  	s23 =	simm.s32 $0x1BFF;
	s22 =	sshll.u32 s7, $0x1;
	s4 =	sadd.s32 s5, s20  }
0x9d: {  	s8 =	simm.s32 $0x0;
	s21 =	sshll.u32 s6, $0x1;
	s6 =	sadd.s32 s22, s4  }
0x9e: {  	[timem:s8], [sflag:s23] =	dma.local [hbm:s6], s21  }
0x9f: {  	_ =	swait.ge [sflag:s23], s21  }
0xa0: {  	s5 =	ssub.s32 $0x0, s21;
	[sflag:s23] =	ssyncset.done $0x0  }
0xa1: {  	[sflag:s23] =	ssyncadd.s32 s5;
	_ =	sdelay $0x1  }
0xa2: {  	s24 =	simm.s32 $0x1B8B  }
0xa3: {  	_ =	swait.ge [sflag:s24], $0x1  }
0xa4: {  	[sflag:s24] =	ssyncset.done $0x0  }
0xa5: {  	s25 =	simm.s32 $0x1B8E;
	[sflag:s24] =	ssyncadd.s32 $0xFFFFFFFF  }
0xa6: {  	s26 =	simm.s32 $execute0_lowered;
	[smem:$0x3FD2] =	sst s25  }
0xa7: {  	s5 =	sshll.u32 s26, $0x1;
	_ =	strace $0x80000046;
	[dreg:$0x1] =	wrdreg $0xFFFFFFFF  }
0xa8: {  	s28 =	simm.s32 $_size_execute0_lowered;
	s4 =	sadd.s32 s4, s5;
	[dreg:$0x0] =	wrdreg $0x0  }
0xa9: {  	s5 =	sshll.u32 s28, $0x1;
	[dreg:$0x2] =	wrdreg s4  }
0xaa: {  	[dreg:$0x3] =	wrdreg s5  }
0xab: {  	[dreg:$0x4] =	wrdreg $0xC0  }
0xac: {  	_ =	task [dreg:s8], $0x5FFFF  }
0xad: {  	[dreg:$0x1] =	wrdreg $0xFFFFFFFF  }
0xae: {  	[dreg:$0x0] =	wrdreg $0x60  }
0xaf: {  	[dreg:$0x2] =	wrdreg s2  }
0xb0: {  	[dreg:$0x3] =	wrdreg s19  }
0xb1: {  	[dreg:$0x4] =	wrdreg $0x180000  }
0xb2: {  	[dreg:$0x5] =	wrdreg $0x9  }
0xb3: {  	_ =	task.clear_ibuf [dreg:s8], $0x6FFFF;
	_ =	strace $0x90000046  }
0xb4: {  	s29 =	simm.s32 $0x9;
	_ =	strace $0x80000048  }
0xb5: {  	_ =	swait.ge [sflag:s29], $0x1  }
0xb6: {  	[sflag:s29] =	ssyncadd.s32 $0xFFFFFFFF  }
0xb7: {  	_ =	strace $0x90000048  }
0xb8: {  	_ =	sfence  }
0xb9: {  	s30 =	sld [smem:$0x0];
	_ =	sdelay $0x2  }
0xba: {  	s31 =	sshll.u32 s1, $0xD;
	s1 =	sshrl.u32 s1, $0x2  }
0xbb: {  	s3 =	sand.u32 $0x4000, s31;
	s1 =	sadd.s32 s1, s30  }
0xbc: {  	s0 =	sor.u32 s3, s0;
	s1 =	sshll.u32 s1, $0x11  }
0xbd: {  	s0 =	sor.u32 s1, s0  }
0xbe: {  	s0 =	sadd.s32 $0x8F2B, s0  }
0xbf: {  	[sflag:s0] =	ssyncadd.remote.s32 $0x1  }
0xc0: {  	_ =	sfence.sel $0xFFFF  }
0xc1: {  	[dreg:$0x0] =	wrdreg $0xFFFFFFFF;
	(pc) =	sbr.abs _section_cstart, $3  }
0xc2: {  	[dreg:$0x1] =	wrdreg $0xFFFFFFFF  }
0xc3: {  	_ =	task.clear_ibuf [dreg:s8], $0x2FFFF;
	_ =	strace $0x9FFFFFFF  }
0xc4: {  	(tm) =	ssettm $0x7FFFFFFF  }
0xc5: {  	_ =	shalt  }
tec
execute0_lowered:
.L_overlay_start_1:
0x0: {  	(tag) =	ssettag $0x1  }
0x1: {  	s8 =	rddreg [dreg:$0x0];
	s1 =	srdreg.scid  }
0x2: {  	s9 =	rddreg [dreg:$0x1];
	s0 =	stileid.u32  }
0x3: {  	s4 =	rddreg [dreg:$0x2];
	s2 =	simm.s32 $0x0;
	s15 =	simm.s32 $0x2  }
0x4: {  	s16 =	simm.s32 $0x100000;
	s19 =	simm.s32 $0x4;
	s20 =	simm.s32 $0x3  }
0x5: {  	s21 =	simm.s32 $0x5;
	s22 =	simm.s32 $0x6;
	s23 =	simm.s32 $0x0  }
0x6: {  	s3 =	sand.u32 $0x1, s1;
	s5 =	sshll.u32 s0, $0x9;
	s1 =	rddreg [dreg:$0x3]  }
0x7: {  	[smem:$0x7FF] =	sst s2;
	s11 =	smul.u32 $0x18000, s0;
	s18 =	sshll.u32 s0, $0x6  }
0x8: {  	s6 =	sshll.u32 s3, $0x8;
	s3 =	ssub.s32 $0x2, s3;
	_ =	strace $0x80000047  }
0x9: {  	s17 =	sor.u32 $0x1C00, s18;
	s5 =	sor.u32 s6, s5;
	s10 =	sshrl.u32 s3, $0x1  }
0xa: {  	s29 =	sshrl.u32 s11, $0x2;
	s6 =	sshrl.u32 s5, $0x3;
	s28 =	smul.u32 $0x60, s5  }
0xb: {  	s7 =	sor.u32 $0x80, s5;
	s10 =	ssub.s32 s3, s10;
	s6 =	smul.u32 $0x300, s6  }
0xc: {  	s13 =	sor.u32 $0xA0, s5;
	s12 =	sshrl.u32 s7, $0x3;
	s7 =	smul.u32 $0x60, s7  }
0xd: {  	s14 =	sadd.s32 s29, s4;
	s5 =	sor.u32 $0x1C02, s18;
	s31 =	smul.u32 $0x60, s13  }
0xe: {  	s18 =	sor.u32 $0x1C05, s18;
	s30 =	sshrl.u32 s13, $0x3;
	s12 =	smul.u32 $0x300, s12  }
0xf: {  	s10 =	smax.u32 s10, $0x1;
	s13 =	simm.s32 $0x80;
	s11 =	smul.u32 $0x300, s30  }
0x10: {  	s3 =	sadd.s32 s8, s6;
	s6 =	sadd.s32 s9, s28;
	s7 =	sadd.s32 s9, s7  }
0x11: {  	s9 =	sadd.s32 s9, s31;
	s4 =	sadd.s32 s8, s12;
	s8 =	sadd.s32 s8, s11  }
0x12: {  	s11 =	sshrl.u32 s14, $0x3;
	s12 =	simm.s32 $0x1;
	s14 =	simm.s32 $0x300  }
.LBB2_1:
0x13: {  	[tilespmem:s2], [sflag:$0x1] =	stream.linear.gather [hbm4b:s3+s2], $0x18000, $0x38;
	[tilespmem:$0x1E000] =	vst v63  }
0x14: {  	[spmem:s11], [sflag:s5] =	dma.local [hbm:s4], $0xC00  }
0x15: {  	_ =	swait.ge [sflag:s12], $0x18000  }
0x16: {  	[sflag:s12] =	ssyncset.done $0x0  }
0x17: {  	s24 =	simm.s32 $0x0;
	[sflag:s12] =	ssyncadd.s32 $0xFFFE8000  }
0x18: {  	[hbm4b:s6+s13] =	stream.strided.scatter [tilespmem:s24], [sflag:$0x4], $0x400, s14, s13, $0x38;
	[tilespmem:$0x1E000] =	vst v63  }
0x19: {  	s29 =	simm.s32 $0x400;
	s25 =	sadd.s32 $0x10, s6;
	s30 =	simm.s32 $0x800  }
0x1a: {  	[hbm4b:s25+s13] =	stream.strided.scatter [tilespmem:s29], [sflag:$0x4], $0x400, s14, s13, $0x38;
	[tilespmem:$0x1E000] =	vst v63  }
0x1b: {  	s31 =	sadd.s32 $0x20, s6;
	s26 =	simm.s32 $0xC00;
	s28 =	sadd.s32 $0x50, s6  }
0x1c: {  	[hbm4b:s31+s13] =	stream.strided.scatter [tilespmem:s30], [sflag:$0x4], $0x400, s14, s13, $0x38;
	[tilespmem:$0x1E000] =	vst v63  }
0x1d: {  	s24 =	simm.s32 $0x6000;
	s29 =	sadd.s32 $0x30, s6;
	s25 =	sadd.s32 $0x300, s6  }
0x1e: {  	[hbm4b:s29+s13] =	stream.strided.scatter [tilespmem:s26], [sflag:$0x4], $0x400, s14, s13, $0x38;
	[tilespmem:$0x1E000] =	vst v63  }
0x1f: {  	s30 =	simm.s32 $0x1000;
	s31 =	sadd.s32 $0x40, s6;
	s26 =	simm.s32 $0x1400  }
0x20: {  	[hbm4b:s31+s13] =	stream.strided.scatter [tilespmem:s30], [sflag:$0x4], $0x400, s14, s13, $0x38;
	[tilespmem:$0x1E000] =	vst v63  }
.LBB2_2:
0x21: {  	[hbm4b:s28+s13] =	stream.strided.scatter [tilespmem:s26], [sflag:$0x4], $0x400, s14, s13, $0x38;
	[tilespmem:$0x1E000] =	vst v63  }
0x22: {  	s26 =	sshra.s32 s24, $0x2;
	p0 =	sne.s32 s24, $0x5A000;
	s24 =	sadd.s32 $0x6000, s24  }
0x23: {  	[hbm4b:s25+s13] =	stream.strided.scatter [tilespmem:s26], [sflag:$0x4], $0x400, s14, s13, $0x38;
	[tilespmem:$0x1E000] =	vst v63  }
0x24: {  	s29 =	sadd.s32 $0x10, s25;
	s28 =	sadd.s32 $0x400, s26  }
0x25: {  	[hbm4b:s29+s13] =	stream.strided.scatter [tilespmem:s28], [sflag:$0x4], $0x400, s14, s13, $0x38;
	[tilespmem:$0x1E000] =	vst v63  }
0x26: {  	s28 =	sadd.s32 $0x800, s26;
	s29 =	sadd.s32 $0x20, s25  }
0x27: {  	[hbm4b:s29+s13] =	stream.strided.scatter [tilespmem:s28], [sflag:$0x4], $0x400, s14, s13, $0x38;
	[tilespmem:$0x1E000] =	vst v63  }
.Ltmp0:
0x28: {  	s28 =	sadd.s32 $0xC00, s26;
	s29 =	sadd.s32 $0x30, s25;
	(pc) =	sbr.rel @p0 .LBB2_2-.Ltmp0, $4  }
0x29: {  	[hbm4b:s29+s13] =	stream.strided.scatter [tilespmem:s28], [sflag:$0x4], $0x400, s14, s13, $0x38;
	[tilespmem:$0x1E000] =	vst v63  }
0x2a: {  	s28 =	sadd.s32 $0x1000, s26;
	s29 =	sadd.s32 $0x40, s25  }
0x2b: {  	[hbm4b:s29+s13] =	stream.strided.scatter [tilespmem:s28], [sflag:$0x4], $0x400, s14, s13, $0x38;
	[tilespmem:$0x1E000] =	vst v63  }
0x2c: {  	s26 =	sadd.s32 $0x1400, s26;
	s28 =	sadd.s32 $0x50, s25;
	s25 =	sadd.s32 $0x300, s25  }
0x2d: {  	[hbm4b:s28+s13] =	stream.strided.scatter [tilespmem:s26], [sflag:$0x4], $0x400, s14, s13, $0x38;
	[tilespmem:$0x1E000] =	vst v63  }
0x2e: {  	_ =	swait.ge [sflag:s15], $0xC00  }
0x2f: {  	[sflag:s15] =	ssyncset.done $0x0  }
0x30: {  	[sflag:s15] =	ssyncadd.s32 $0xFFFFF400  }
0x31: {  	s24 =	simm.s32 $0x0;
	[smem:s16], [sflag:$0x0] =	smem.add.s32 $0x0  }
0x32: {  	_ =	swait.done [sflag:s24]  }
0x33: {  	s25 =	ssyncread [sflag:$0x0]  }
0x34: {  	[sflag:s24] =	ssyncset.s32 $0x0  }
0x35: {  	[sflag:s24] =	ssyncset.done $0x0  }
0x36: {  	[dreg:$0x0] =	wrdreg $0x300  }
0x37: {  	[dreg:$0x1] =	wrdreg $0x300  }
0x38: {  	[dreg:$0x2] =	wrdreg $0x6  }
0x39: {  	[dreg:$0x3] =	wrdreg $0x80  }
0x3a: {  	[dreg:$0x4] =	wrdreg $0x10  }
0x3b: {  	[dreg:$0x5] =	wrdreg $0x8  }
0x3c: {  	[dreg:$0x6] =	wrdreg $0x10  }
0x3d: {  	[dreg:$0x7] =	wrdreg $0x60  }
0x3e: {  	s25 =	sor.u32 $0x4004000, s25;
	[dreg:$0x8] =	wrdreg $0x1  }
0x3f: {  	[hbm:s7], [sflag:s18] =	dma.general [spmem:s11], [sflag:s17], length:$0xC00, [dreg:$0x0], stride_count:$0x3, ici_dest:s25, dma_misc:DstOpCode:WRITE  }
0x40: {  	_ =	swait.ge [sflag:s19], $0x18000  }
0x41: {  	[sflag:s19] =	ssyncset.done $0x0  }
0x42: {  	[sflag:s19] =	ssyncadd.s32 $0xFFFE8000  }
0x43: {  	[tilespmem:s24], [sflag:$0x3] =	stream.linear.gather [hbm4b:s8+s24], $0x12000, $0x38;
	[tilespmem:$0x1E000] =	vst v63  }
0x44: {  	_ =	swait.ge [sflag:s20], $0x12000  }
0x45: {  	[sflag:s20] =	ssyncset.done $0x0  }
0x46: {  	s25 =	simm.s32 $0x0;
	[sflag:s20] =	ssyncadd.s32 $0xFFFEE000  }
0x47: {  	[hbm4b:s9+s13] =	stream.strided.scatter [tilespmem:s25], [sflag:$0x6], $0x400, s14, s13, $0x38;
	[tilespmem:$0x1E000] =	vst v63  }
0x48: {  	s26 =	simm.s32 $0x400;
	s29 =	sadd.s32 $0x10, s9;
	s30 =	simm.s32 $0x800  }
0x49: {  	[hbm4b:s29+s13] =	stream.strided.scatter [tilespmem:s26], [sflag:$0x6], $0x400, s14, s13, $0x38;
	[tilespmem:$0x1E000] =	vst v63  }
0x4a: {  	s31 =	sadd.s32 $0x20, s9;
	s28 =	sadd.s32 $0x50, s9;
	s24 =	simm.s32 $0x6000  }
0x4b: {  	[hbm4b:s31+s13] =	stream.strided.scatter [tilespmem:s30], [sflag:$0x6], $0x400, s14, s13, $0x38;
	[tilespmem:$0x1E000] =	vst v63  }
0x4c: {  	s25 =	sadd.s32 $0x300, s9;
	s26 =	simm.s32 $0xC00;
	s29 =	sadd.s32 $0x30, s9  }
0x4d: {  	[hbm4b:s29+s13] =	stream.strided.scatter [tilespmem:s26], [sflag:$0x6], $0x400, s14, s13, $0x38;
	[tilespmem:$0x1E000] =	vst v63  }
0x4e: {  	s30 =	simm.s32 $0x1000;
	s31 =	sadd.s32 $0x40, s9;
	s26 =	simm.s32 $0x1400  }
0x4f: {  	[hbm4b:s31+s13] =	stream.strided.scatter [tilespmem:s30], [sflag:$0x6], $0x400, s14, s13, $0x38;
	[tilespmem:$0x1E000] =	vst v63  }
.LBB2_4:
0x50: {  	[hbm4b:s28+s13] =	stream.strided.scatter [tilespmem:s26], [sflag:$0x6], $0x400, s14, s13, $0x38;
	[tilespmem:$0x1E000] =	vst v63  }
0x51: {  	s26 =	sshra.s32 s24, $0x2;
	p0 =	sne.s32 s24, $0x42000;
	s24 =	sadd.s32 $0x6000, s24  }
0x52: {  	[hbm4b:s25+s13] =	stream.strided.scatter [tilespmem:s26], [sflag:$0x6], $0x400, s14, s13, $0x38;
	[tilespmem:$0x1E000] =	vst v63  }
0x53: {  	s29 =	sadd.s32 $0x10, s25;
	s28 =	sadd.s32 $0x400, s26  }
0x54: {  	[hbm4b:s29+s13] =	stream.strided.scatter [tilespmem:s28], [sflag:$0x6], $0x400, s14, s13, $0x38;
	[tilespmem:$0x1E000] =	vst v63  }
0x55: {  	s28 =	sadd.s32 $0x800, s26;
	s29 =	sadd.s32 $0x20, s25  }
0x56: {  	[hbm4b:s29+s13] =	stream.strided.scatter [tilespmem:s28], [sflag:$0x6], $0x400, s14, s13, $0x38;
	[tilespmem:$0x1E000] =	vst v63  }
.Ltmp1:
0x57: {  	s28 =	sadd.s32 $0xC00, s26;
	s29 =	sadd.s32 $0x30, s25;
	(pc) =	sbr.rel @p0 .LBB2_4-.Ltmp1, $4  }
0x58: {  	[hbm4b:s29+s13] =	stream.strided.scatter [tilespmem:s28], [sflag:$0x6], $0x400, s14, s13, $0x38;
	[tilespmem:$0x1E000] =	vst v63  }
0x59: {  	s28 =	sadd.s32 $0x1000, s26;
	s29 =	sadd.s32 $0x40, s25  }
0x5a: {  	[hbm4b:s29+s13] =	stream.strided.scatter [tilespmem:s28], [sflag:$0x6], $0x400, s14, s13, $0x38;
	[tilespmem:$0x1E000] =	vst v63  }
0x5b: {  	s26 =	sadd.s32 $0x1400, s26;
	s28 =	sadd.s32 $0x50, s25;
	s25 =	sadd.s32 $0x300, s25  }
0x5c: {  	[hbm4b:s28+s13] =	stream.strided.scatter [tilespmem:s26], [sflag:$0x6], $0x400, s14, s13, $0x38;
	[tilespmem:$0x1E000] =	vst v63  }
0x5d: {  	s23 =	sadd.s32 $0x1, s23  }
0x5e: {  	_ =	swait.ge [sflag:s21], $0xC00;
	p0 =	sne.s32 s23, s10  }
.Ltmp2:
0x5f: {  	[sflag:s21] =	ssyncset.done $0x0;
	(pc) =	sbr.rel @p0 .LBB2_1-.Ltmp2, $4  }
0x60: {  	[sflag:s21] =	ssyncadd.s32 $0xFFFFF400  }
0x61: {  	_ =	swait.ge [sflag:s22], $0x12000  }
0x62: {  	[sflag:s22] =	ssyncset.done $0x0  }
0x63: {  	[sflag:s22] =	ssyncadd.s32 $0xFFFEE000  }
0x64: {  	_ =	sfence.sel $0x180000  }
0x65: {  	[bflag:$0x0] =	sbarrier.arrive $0xFFFF  }
0x66: {  	p0 =	sne.s32 s0, $0x0;
	_ =	strace $0x90000047  }
0x67: {  	s0 =	sadd.s32 @!p0 $0x100000, s1;
	[bflag:$0x2] =	sbarrier.arrive $0xFFFF  }
0x68: {  	[sflag:s0] =	ssyncadd.tile.s32 @!p0 $0x1;
	_ =	shalt  }
.Lfunc_end2:
_tile_overlayer_lowered:
.L_overlay_start_2:
0x69: {  	(tag) =	ssettag $0x2  }
0x6a: {  	s0 =	rddreg [dreg:$0x0];
	s2 =	stileid.u32  }
0x6b: {  	s1 =	rddreg [dreg:$0x1];
	p0 =	sne.s32 s2, $0x0  }
0x6c: {  	s3 =	rddreg [dreg:$0x2];
	[bflag:$0x3] =	sbarrier.arrive $0xFFFF;
	s2 =	simm.s32 @!p0 $0x1C07  }
0x6d: {  	[timem:s3], [sflag:s2] =	dma.local @!p0 [hbm:s0], s1  }
0x6e: {  	s0 =	simm.s32 @!p0 $0x7  }
0x6f: {  	_ =	swait.ge @!p0 [sflag:s0], s1  }
0x70: {  	s1 =	ssub.s32 @!p0 $0x0, s1;
	[sflag:s0] =	ssyncset.done @!p0 $0x0  }
0x71: {  	[sflag:s0] =	ssyncadd.s32 @!p0 s1  }
0x72: {  	[bflag:$0x3] =	sbarrier.arrive $0xFFFF  }
0x73: {  	_ =	shalt  }

</sc_bundles>
